<compile_context>
chip_gen: v7x
topology: tpu7x:2x2x1
jax: 0.10.2.dev20260603
libtpu: 0.0.44.dev20260713+nightly
codegen_flags: <defaults>
</compile_context>

<pallas_src>
import functools

import jax
import jax.numpy as jnp
from jax import lax
from jax.experimental import pallas as pl
from jax.experimental.pallas import tpu as pltpu
from jax.experimental.pallas import tpu_sc as plsc

_B, _L, _D, _F = 16, 2048, 128, 128
_NC, _NS, _LANES = 2, 16, 16
_NW = _NC * _NS
_ROWS_PER_W = (_B * _L) // _NW
_CHUNK = 256
_NCHUNK = _ROWS_PER_W // _CHUNK
_NVEC = _D // _LANES


def _sc_reduce_body(x_hbm, out_hbm, buf, stage):
    c = lax.axis_index("c")
    s = lax.axis_index("s")
    wid = s * _NC + c
    set_id = wid % _B
    half = wid // _B
    base = set_id * _L + half * _ROWS_PER_W

    accs = tuple(jnp.zeros((_LANES,), jnp.float32) for _ in range(_NVEC))
    for ck in range(_NCHUNK):
        pltpu.sync_copy(x_hbm.at[pl.ds(base + ck * _CHUNK, _CHUNK)], buf)

        def body(r, a):
            return tuple(a[f] + buf[r, pl.ds(f * _LANES, _LANES)]
                         for f in range(_NVEC))

        accs = lax.fori_loop(0, _CHUNK, body, accs)

    for f in range(_NVEC):
        stage[0, pl.ds(f * _LANES, _LANES)] = accs[f]
    pltpu.sync_copy(stage, out_hbm.at[pl.ds(wid, 1)])


_sc_reduce = functools.partial(
    pl.kernel,
    mesh=plsc.VectorSubcoreMesh(core_axis_name="c", subcore_axis_name="s"),
    out_type=jax.ShapeDtypeStruct((_NW, _D), jnp.float32),
    scratch_types=[
        pltpu.VMEM((_CHUNK, _D), jnp.float32),
        pltpu.VMEM((1, _D), jnp.float32),
    ],
)(_sc_reduce_body)


def _tc_affine_body(p_ref, w_ref, b_ref, o_ref):
    s = p_ref[0:_B, :] + p_ref[_B:2 * _B, :]
    o_ref[...] = (
        lax.dot_general(s, w_ref[...], (((1,), (1,)), ((), ())),
                        preferred_element_type=jnp.float32)
        + jnp.float32(_L) * b_ref[...]
    )


def kernel(batch, W, b):
    x = batch.reshape(_B * _L, _D)
    partial = _sc_reduce(x)
    out = pl.pallas_call(
        _tc_affine_body,
        out_shape=jax.ShapeDtypeStruct((_B, _F), jnp.float32),
    )(partial, W, b.reshape(1, _F))
    return out

# --- scband reference (transcript-rebuilt; emitter-appended) ---
"""Pipeline reference for scband-deep-sets-26963804685167 (READ-ONLY COPY).

The authoritative reference and input builder live on the scoring server;
editing this copy changes nothing except your own understanding.
"""

import jax, jax.numpy as jnp
import numpy as np

B, L, D, F = 16, 2048, 128, 128


def setup_inputs(seed: int = 0) -> dict:
    key = jax.random.key(seed)
    k1, k2, k3 = jax.random.split(key, 3)
    batch = jax.random.normal(k1, (B, L, D), dtype=jnp.float32)
    # nn.Linear(point_dim, feat_out): weight [F, D], bias [F]
    bound = 1.0 / np.sqrt(D)
    W = jax.random.uniform(k2, (F, D), dtype=jnp.float32, minval=-bound, maxval=bound)
    b = jax.random.uniform(k3, (F,), dtype=jnp.float32, minval=-bound, maxval=bound)
    return {"batch": batch, "W": W, "b": b}


def reference(batch, W, b):
    # torch forward: iterate over batch (list of [L, D] tensors, here uniform 3D tensor),
    # concat -> [B*L, D], apply phi (Linear), then per-segment sum ('add' aggregation).
    x = batch.reshape(-1, batch.shape[-1])  # torch.cat(batch, dim=0)
    x = x @ W.T + b  # self.phi(x)
    seg = jnp.repeat(jnp.arange(B, dtype=jnp.int32), L)
    out = jax.ops.segment_sum(x, seg, num_segments=B)  # per-slice torch.sum(dim=0) + stack
    return out

if __name__ == "__main__":
    import jax
    _d = setup_inputs()
    print(jax.jit(kernel)(*tuple(_d.values())))

</pallas_src>

<mosaic_0001>
#map = affine_map<(d0, d1) -> (0, 0)>
module attributes {stable_mosaic.version = 14 : i64} {
  func.func @_sc_reduce_body(%arg0: i32, %arg1: i32, %arg2: memref<32768x128xf32, #tpu.memory_space<hbm>>, %arg3: memref<32x128xf32, #tpu.memory_space<hbm>>, %arg4: memref<256x128xf32, #tpu.memory_space<vmem>>, %arg5: memref<1x128xf32, #tpu.memory_space<vmem>>) attributes {dimension_semantics = [#tpu.dimension_semantics<core_parallel>, #tpu.dimension_semantics<subcore_parallel>], iteration_bounds = array<i64: 2, 16>, scalar_prefetch = 0 : i64, scratch_operands = 2 : i64, tpu.core_type = #tpu.core_type<sc_vector_subcore>, window_params = [{transform_indices = #map}, {transform_indices = #map}]} {
    %mul3A = arith.constant 2 : i32
    %mul3A_0 = arith.muli %arg1, %mul3A : i32
    %add3A = arith.addi %mul3A_0, %arg0 : i32
    %jit3A = arith.constant 16 : i32
    %eq3A = arith.constant 0 : i32
    %eq3A_1 = arith.cmpi eq, %jit3A, %eq3A : i32
    %jit3A_2 = arith.constant 1 : i32
    %select_n3A = arith.select %eq3A_1, %jit3A_2, %jit3A : i32
    %rem3A = arith.remsi %add3A, %select_n3A : i32
    %ne3A = arith.constant 0 : i32
    %ne3A_3 = arith.cmpi ne, %rem3A, %ne3A : i32
    %lt3A = arith.constant 0 : i32
    %lt3A_4 = arith.cmpi slt, %rem3A, %lt3A : i32
    %lt3A_5 = arith.constant 0 : i32
    %lt3A_6 = arith.cmpi slt, %select_n3A, %lt3A_5 : i32
    %ne3A_7 = arith.xori %lt3A_4, %lt3A_6 : i1
    %and3A = arith.andi %ne3A_7, %ne3A_3 : i1
    %add3A_8 = arith.addi %rem3A, %select_n3A : i32
    %select_n3A_9 = arith.select %and3A, %add3A_8, %rem3A : i32
    %jit3A_10 = arith.constant 16 : i32
    %div3A = arith.divsi %add3A, %jit3A_10 : i32
    %sign3A = arith.constant 0 : i32
    %sign3A_11 = arith.cmpi sgt, %add3A, %sign3A : i32
    %sign3A_12 = arith.extui %sign3A_11 : i1 to i32
    %sign3A_13 = arith.constant 0 : i32
    %sign3A_14 = arith.cmpi slt, %add3A, %sign3A_13 : i32
    %sign3A_15 = arith.extui %sign3A_14 : i1 to i32
    %sign3A_16 = arith.subi %sign3A_12, %sign3A_15 : i32
    %sign3A_17 = arith.constant 0 : i32
    %sign3A_18 = arith.cmpi sgt, %jit3A_10, %sign3A_17 : i32
    %sign3A_19 = arith.extui %sign3A_18 : i1 to i32
    %sign3A_20 = arith.constant 0 : i32
    %sign3A_21 = arith.cmpi slt, %jit3A_10, %sign3A_20 : i32
    %sign3A_22 = arith.extui %sign3A_21 : i1 to i32
    %sign3A_23 = arith.subi %sign3A_19, %sign3A_22 : i32
    %ne3A_24 = arith.cmpi ne, %sign3A_16, %sign3A_23 : i32
    %rem3A_25 = arith.remsi %add3A, %jit3A_10 : i32
    %ne3A_26 = arith.constant 0 : i32
    %ne3A_27 = arith.cmpi ne, %rem3A_25, %ne3A_26 : i32
    %and3A_28 = arith.andi %ne3A_24, %ne3A_27 : i1
    %sub3A = arith.constant 1 : i32
    %sub3A_29 = arith.subi %div3A, %sub3A : i32
    %select_n3A_30 = arith.select %and3A_28, %sub3A_29, %div3A : i32
    %mul3A_31 = arith.constant 2048 : i32
    %mul3A_32 = arith.muli %select_n3A_9, %mul3A_31 : i32
    %mul3A_33 = arith.constant 1024 : i32
    %mul3A_34 = arith.muli %select_n3A_30, %mul3A_33 : i32
    %add3A_35 = arith.addi %mul3A_32, %mul3A_34 : i32
    %broadcast_in_dim3A = arith.constant 0.000000e+00 : f32
    %broadcast_in_dim3A_36 = vector.broadcast %broadcast_in_dim3A : f32 to vector<16xf32>
    %broadcast_in_dim3A_37 = arith.constant 0.000000e+00 : f32
    %broadcast_in_dim3A_38 = vector.broadcast %broadcast_in_dim3A_37 : f32 to vector<16xf32>
    %broadcast_in_dim3A_39 = arith.constant 0.000000e+00 : f32
    %broadcast_in_dim3A_40 = vector.broadcast %broadcast_in_dim3A_39 : f32 to vector<16xf32>
    %broadcast_in_dim3A_41 = arith.constant 0.000000e+00 : f32
    %broadcast_in_dim3A_42 = vector.broadcast %broadcast_in_dim3A_41 : f32 to vector<16xf32>
    %broadcast_in_dim3A_43 = arith.constant 0.000000e+00 : f32
    %broadcast_in_dim3A_44 = vector.broadcast %broadcast_in_dim3A_43 : f32 to vector<16xf32>
    %broadcast_in_dim3A_45 = arith.constant 0.000000e+00 : f32
    %broadcast_in_dim3A_46 = vector.broadcast %broadcast_in_dim3A_45 : f32 to vector<16xf32>
    %broadcast_in_dim3A_47 = arith.constant 0.000000e+00 : f32
    %broadcast_in_dim3A_48 = vector.broadcast %broadcast_in_dim3A_47 : f32 to vector<16xf32>
    %broadcast_in_dim3A_49 = arith.constant 0.000000e+00 : f32
    %broadcast_in_dim3A_50 = vector.broadcast %broadcast_in_dim3A_49 : f32 to vector<16xf32>
    %add3A_51 = arith.constant 0 : i32
    %add3A_52 = arith.addi %add3A_35, %add3A_51 : i32
    "tpu.region"() ({
      %run_scoped3A = tpu.sem_alloc : memref<!tpu.dma_semaphore, #tpu.memory_space<semaphore_mem>>
      %dma_start3A = arith.constant 0 : i32
      %dma_start3A_129 = tpu.memref_slice %arg2[%add3A_52, %dma_start3A] : memref<32768x128xf32, #tpu.memory_space<hbm>> -> memref<256x128xf32, #tpu.memory_space<hbm>>
      %dma_start3A_130 = arith.constant 0 : i32
      %dma_start3A_131 = tpu.memref_slice %arg2[%add3A_52, %dma_start3A_130] : memref<32768x128xf32, #tpu.memory_space<hbm>> -> memref<256x128xf32, #tpu.memory_space<hbm>>
      tpu.enqueue_dma source(%dma_start3A_131 : memref<256x128xf32, #tpu.memory_space<hbm>>) target(%arg4 : memref<256x128xf32, #tpu.memory_space<vmem>>) target_semaphore(%run_scoped3A : memref<!tpu.dma_semaphore, #tpu.memory_space<semaphore_mem>>)
      %dma_wait3A = arith.constant 0 : i32
      %dma_wait3A_132 = tpu.memref_slice %arg2[%add3A_52, %dma_wait3A] : memref<32768x128xf32, #tpu.memory_space<hbm>> -> memref<256x128xf32, #tpu.memory_space<hbm>>
      %dma_wait3A_133 = arith.constant 0 : i32
      %dma_wait3A_134 = tpu.memref_slice %arg2[%add3A_52, %dma_wait3A_133] : memref<32768x128xf32, #tpu.memory_space<hbm>> -> memref<256x128xf32, #tpu.memory_space<hbm>>
      tpu.wait_dma2 semaphore(%run_scoped3A : memref<!tpu.dma_semaphore, #tpu.memory_space<semaphore_mem>>) src(%dma_wait3A_134 : memref<256x128xf32, #tpu.memory_space<hbm>>) dst(%arg4 : memref<256x128xf32, #tpu.memory_space<vmem>>)
      tpu.yield
    }) : () -> ()
    %scan3A = arith.constant 0 : i32
    %scan3A_53 = arith.constant 256 : i32
    %scan3A_54 = arith.addi %scan3A, %scan3A_53 : i32
    %scan3A_55 = arith.constant 1 : i32
    %scan3A_56:8 = scf.for %scan3A_129 = %scan3A to %scan3A_54 step %scan3A_55 iter_args(%scan3A_130 = %broadcast_in_dim3A_36, %scan3A_131 = %broadcast_in_dim3A_38, %scan3A_132 = %broadcast_in_dim3A_40, %scan3A_133 = %broadcast_in_dim3A_42, %scan3A_134 = %broadcast_in_dim3A_44, %scan3A_135 = %broadcast_in_dim3A_46, %scan3A_136 = %broadcast_in_dim3A_48, %scan3A_137 = %broadcast_in_dim3A_50) -> (vector<16xf32>, vector<16xf32>, vector<16xf32>, vector<16xf32>, vector<16xf32>, vector<16xf32>, vector<16xf32>, vector<16xf32>)  : i32 {
      %get3A = arith.index_cast %scan3A_129 : i32 to index
      %get3A_138 = arith.constant 0 : index
      %get3A_139 = tpu.vector_load %arg4[%get3A, %get3A_138] {strides = array<i32>} : memref<256x128xf32, #tpu.memory_space<vmem>>, vector<1x16xf32>,
      %get3A_140 = vector.shape_cast %get3A_139 : vector<1x16xf32> to vector<16xf32>
      %add3A_141 = arith.addf %scan3A_130, %get3A_140 : vector<16xf32>
      %get3A_142 = arith.index_cast %scan3A_129 : i32 to index
      %get3A_143 = arith.constant 16 : index
      %get3A_144 = tpu.vector_load %arg4[%get3A_142, %get3A_143] {strides = array<i32>} : memref<256x128xf32, #tpu.memory_space<vmem>>, vector<1x16xf32>,
      %get3A_145 = vector.shape_cast %get3A_144 : vector<1x16xf32> to vector<16xf32>
      %add3A_146 = arith.addf %scan3A_131, %get3A_145 : vector<16xf32>
      %get3A_147 = arith.index_cast %scan3A_129 : i32 to index
      %get3A_148 = arith.constant 32 : index
      %get3A_149 = tpu.vector_load %arg4[%get3A_147, %get3A_148] {strides = array<i32>} : memref<256x128xf32, #tpu.memory_space<vmem>>, vector<1x16xf32>,
      %get3A_150 = vector.shape_cast %get3A_149 : vector<1x16xf32> to vector<16xf32>
      %add3A_151 = arith.addf %scan3A_132, %get3A_150 : vector<16xf32>
      %get3A_152 = arith.index_cast %scan3A_129 : i32 to index
      %get3A_153 = arith.constant 48 : index
      %get3A_154 = tpu.vector_load %arg4[%get3A_152, %get3A_153] {strides = array<i32>} : memref<256x128xf32, #tpu.memory_space<vmem>>, vector<1x16xf32>,
      %get3A_155 = vector.shape_cast %get3A_154 : vector<1x16xf32> to vector<16xf32>
      %add3A_156 = arith.addf %scan3A_133, %get3A_155 : vector<16xf32>
      %get3A_157 = arith.index_cast %scan3A_129 : i32 to index
      %get3A_158 = arith.constant 64 : index
      %get3A_159 = tpu.vector_load %arg4[%get3A_157, %get3A_158] {strides = array<i32>} : memref<256x128xf32, #tpu.memory_space<vmem>>, vector<1x16xf32>,
      %get3A_160 = vector.shape_cast %get3A_159 : vector<1x16xf32> to vector<16xf32>
      %add3A_161 = arith.addf %scan3A_134, %get3A_160 : vector<16xf32>
      %get3A_162 = arith.index_cast %scan3A_129 : i32 to index
      %get3A_163 = arith.constant 80 : index
      %get3A_164 = tpu.vector_load %arg4[%get3A_162, %get3A_163] {strides = array<i32>} : memref<256x128xf32, #tpu.memory_space<vmem>>, vector<1x16xf32>,
      %get3A_165 = vector.shape_cast %get3A_164 : vector<1x16xf32> to vector<16xf32>
      %add3A_166 = arith.addf %scan3A_135, %get3A_165 : vector<16xf32>
      %get3A_167 = arith.index_cast %scan3A_129 : i32 to index
      %get3A_168 = arith.constant 96 : index
      %get3A_169 = tpu.vector_load %arg4[%get3A_167, %get3A_168] {strides = array<i32>} : memref<256x128xf32, #tpu.memory_space<vmem>>, vector<1x16xf32>,
      %get3A_170 = vector.shape_cast %get3A_169 : vector<1x16xf32> to vector<16xf32>
      %add3A_171 = arith.addf %scan3A_136, %get3A_170 : vector<16xf32>
      %get3A_172 = arith.index_cast %scan3A_129 : i32 to index
      %get3A_173 = arith.constant 112 : index
      %get3A_174 = tpu.vector_load %arg4[%get3A_172, %get3A_173] {strides = array<i32>} : memref<256x128xf32, #tpu.memory_space<vmem>>, vector<1x16xf32>,
      %get3A_175 = vector.shape_cast %get3A_174 : vector<1x16xf32> to vector<16xf32>
      %add3A_176 = arith.addf %scan3A_137, %get3A_175 : vector<16xf32>
      scf.yield %add3A_141, %add3A_146, %add3A_151, %add3A_156, %add3A_161, %add3A_166, %add3A_171, %add3A_176 : vector<16xf32>, vector<16xf32>, vector<16xf32>, vector<16xf32>, vector<16xf32>, vector<16xf32>, vector<16xf32>, vector<16xf32>
    }
    %scan3A_57 = arith.constant 256 : i32
    %add3A_58 = arith.constant 256 : i32
    %add3A_59 = arith.addi %add3A_35, %add3A_58 : i32
    "tpu.region"() ({
      %run_scoped3A = tpu.sem_alloc : memref<!tpu.dma_semaphore, #tpu.memory_space<semaphore_mem>>
      %dma_start3A = arith.constant 0 : i32
      %dma_start3A_129 = tpu.memref_slice %arg2[%add3A_59, %dma_start3A] : memref<32768x128xf32, #tpu.memory_space<hbm>> -> memref<256x128xf32, #tpu.memory_space<hbm>>
      %dma_start3A_130 = arith.constant 0 : i32
      %dma_start3A_131 = tpu.memref_slice %arg2[%add3A_59, %dma_start3A_130] : memref<32768x128xf32, #tpu.memory_space<hbm>> -> memref<256x128xf32, #tpu.memory_space<hbm>>
      tpu.enqueue_dma source(%dma_start3A_131 : memref<256x128xf32, #tpu.memory_space<hbm>>) target(%arg4 : memref<256x128xf32, #tpu.memory_space<vmem>>) target_semaphore(%run_scoped3A : memref<!tpu.dma_semaphore, #tpu.memory_space<semaphore_mem>>)
      %dma_wait3A = arith.constant 0 : i32
      %dma_wait3A_132 = tpu.memref_slice %arg2[%add3A_59, %dma_wait3A] : memref<32768x128xf32, #tpu.memory_space<hbm>> -> memref<256x128xf32, #tpu.memory_space<hbm>>
      %dma_wait3A_133 = arith.constant 0 : i32
      %dma_wait3A_134 = tpu.memref_slice %arg2[%add3A_59, %dma_wait3A_133] : memref<32768x128xf32, #tpu.memory_space<hbm>> -> memref<256x128xf32, #tpu.memory_space<hbm>>
      tpu.wait_dma2 semaphore(%run_scoped3A : memref<!tpu.dma_semaphore, #tpu.memory_space<semaphore_mem>>) src(%dma_wait3A_134 : memref<256x128xf32, #tpu.memory_space<hbm>>) dst(%arg4 : memref<256x128xf32, #tpu.memory_space<vmem>>)
      tpu.yield
    }) : () -> ()
    %scan3A_60 = arith.constant 0 : i32
    %scan3A_61 = arith.constant 256 : i32
    %scan3A_62 = arith.addi %scan3A_60, %scan3A_61 : i32
    %scan3A_63 = arith.constant 1 : i32
    %scan3A_64:8 = scf.for %scan3A_129 = %scan3A_60 to %scan3A_62 step %scan3A_63 iter_args(%scan3A_130 = %scan3A_56#0, %scan3A_131 = %scan3A_56#1, %scan3A_132 = %scan3A_56#2, %scan3A_133 = %scan3A_56#3, %scan3A_134 = %scan3A_56#4, %scan3A_135 = %scan3A_56#5, %scan3A_136 = %scan3A_56#6, %scan3A_137 = %scan3A_56#7) -> (vector<16xf32>, vector<16xf32>, vector<16xf32>, vector<16xf32>, vector<16xf32>, vector<16xf32>, vector<16xf32>, vector<16xf32>)  : i32 {
      %get3A = arith.index_cast %scan3A_129 : i32 to index
      %get3A_138 = arith.constant 0 : index
      %get3A_139 = tpu.vector_load %arg4[%get3A, %get3A_138] {strides = array<i32>} : memref<256x128xf32, #tpu.memory_space<vmem>>, vector<1x16xf32>,
      %get3A_140 = vector.shape_cast %get3A_139 : vector<1x16xf32> to vector<16xf32>
      %add3A_141 = arith.addf %scan3A_130, %get3A_140 : vector<16xf32>
      %get3A_142 = arith.index_cast %scan3A_129 : i32 to index
      %get3A_143 = arith.constant 16 : index
      %get3A_144 = tpu.vector_load %arg4[%get3A_142, %get3A_143] {strides = array<i32>} : memref<256x128xf32, #tpu.memory_space<vmem>>, vector<1x16xf32>,
      %get3A_145 = vector.shape_cast %get3A_144 : vector<1x16xf32> to vector<16xf32>
      %add3A_146 = arith.addf %scan3A_131, %get3A_145 : vector<16xf32>
      %get3A_147 = arith.index_cast %scan3A_129 : i32 to index
      %get3A_148 = arith.constant 32 : index
      %get3A_149 = tpu.vector_load %arg4[%get3A_147, %get3A_148] {strides = array<i32>} : memref<256x128xf32, #tpu.memory_space<vmem>>, vector<1x16xf32>,
      %get3A_150 = vector.shape_cast %get3A_149 : vector<1x16xf32> to vector<16xf32>
      %add3A_151 = arith.addf %scan3A_132, %get3A_150 : vector<16xf32>
      %get3A_152 = arith.index_cast %scan3A_129 : i32 to index
      %get3A_153 = arith.constant 48 : index
      %get3A_154 = tpu.vector_load %arg4[%get3A_152, %get3A_153] {strides = array<i32>} : memref<256x128xf32, #tpu.memory_space<vmem>>, vector<1x16xf32>,
      %get3A_155 = vector.shape_cast %get3A_154 : vector<1x16xf32> to vector<16xf32>
      %add3A_156 = arith.addf %scan3A_133, %get3A_155 : vector<16xf32>
      %get3A_157 = arith.index_cast %scan3A_129 : i32 to index
      %get3A_158 = arith.constant 64 : index
      %get3A_159 = tpu.vector_load %arg4[%get3A_157, %get3A_158] {strides = array<i32>} : memref<256x128xf32, #tpu.memory_space<vmem>>, vector<1x16xf32>,
      %get3A_160 = vector.shape_cast %get3A_159 : vector<1x16xf32> to vector<16xf32>
      %add3A_161 = arith.addf %scan3A_134, %get3A_160 : vector<16xf32>
      %get3A_162 = arith.index_cast %scan3A_129 : i32 to index
      %get3A_163 = arith.constant 80 : index
      %get3A_164 = tpu.vector_load %arg4[%get3A_162, %get3A_163] {strides = array<i32>} : memref<256x128xf32, #tpu.memory_space<vmem>>, vector<1x16xf32>,
      %get3A_165 = vector.shape_cast %get3A_164 : vector<1x16xf32> to vector<16xf32>
      %add3A_166 = arith.addf %scan3A_135, %get3A_165 : vector<16xf32>
      %get3A_167 = arith.index_cast %scan3A_129 : i32 to index
      %get3A_168 = arith.constant 96 : index
      %get3A_169 = tpu.vector_load %arg4[%get3A_167, %get3A_168] {strides = array<i32>} : memref<256x128xf32, #tpu.memory_space<vmem>>, vector<1x16xf32>,
      %get3A_170 = vector.shape_cast %get3A_169 : vector<1x16xf32> to vector<16xf32>
      %add3A_171 = arith.addf %scan3A_136, %get3A_170 : vector<16xf32>
      %get3A_172 = arith.index_cast %scan3A_129 : i32 to index
      %get3A_173 = arith.constant 112 : index
      %get3A_174 = tpu.vector_load %arg4[%get3A_172, %get3A_173] {strides = array<i32>} : memref<256x128xf32, #tpu.memory_space<vmem>>, vector<1x16xf32>,
      %get3A_175 = vector.shape_cast %get3A_174 : vector<1x16xf32> to vector<16xf32>
      %add3A_176 = arith.addf %scan3A_137, %get3A_175 : vector<16xf32>
      scf.yield %add3A_141, %add3A_146, %add3A_151, %add3A_156, %add3A_161, %add3A_166, %add3A_171, %add3A_176 : vector<16xf32>, vector<16xf32>, vector<16xf32>, vector<16xf32>, vector<16xf32>, vector<16xf32>, vector<16xf32>, vector<16xf32>
    }
    %scan3A_65 = arith.constant 256 : i32
    %add3A_66 = arith.constant 512 : i32
    %add3A_67 = arith.addi %add3A_35, %add3A_66 : i32
    "tpu.region"() ({
      %run_scoped3A = tpu.sem_alloc : memref<!tpu.dma_semaphore, #tpu.memory_space<semaphore_mem>>
      %dma_start3A = arith.constant 0 : i32
      %dma_start3A_129 = tpu.memref_slice %arg2[%add3A_67, %dma_start3A] : memref<32768x128xf32, #tpu.memory_space<hbm>> -> memref<256x128xf32, #tpu.memory_space<hbm>>
      %dma_start3A_130 = arith.constant 0 : i32
      %dma_start3A_131 = tpu.memref_slice %arg2[%add3A_67, %dma_start3A_130] : memref<32768x128xf32, #tpu.memory_space<hbm>> -> memref<256x128xf32, #tpu.memory_space<hbm>>
      tpu.enqueue_dma source(%dma_start3A_131 : memref<256x128xf32, #tpu.memory_space<hbm>>) target(%arg4 : memref<256x128xf32, #tpu.memory_space<vmem>>) target_semaphore(%run_scoped3A : memref<!tpu.dma_semaphore, #tpu.memory_space<semaphore_mem>>)
      %dma_wait3A = arith.constant 0 : i32
      %dma_wait3A_132 = tpu.memref_slice %arg2[%add3A_67, %dma_wait3A] : memref<32768x128xf32, #tpu.memory_space<hbm>> -> memref<256x128xf32, #tpu.memory_space<hbm>>
      %dma_wait3A_133 = arith.constant 0 : i32
      %dma_wait3A_134 = tpu.memref_slice %arg2[%add3A_67, %dma_wait3A_133] : memref<32768x128xf32, #tpu.memory_space<hbm>> -> memref<256x128xf32, #tpu.memory_space<hbm>>
      tpu.wait_dma2 semaphore(%run_scoped3A : memref<!tpu.dma_semaphore, #tpu.memory_space<semaphore_mem>>) src(%dma_wait3A_134 : memref<256x128xf32, #tpu.memory_space<hbm>>) dst(%arg4 : memref<256x128xf32, #tpu.memory_space<vmem>>)
      tpu.yield
    }) : () -> ()
    %scan3A_68 = arith.constant 0 : i32
    %scan3A_69 = arith.constant 256 : i32
    %scan3A_70 = arith.addi %scan3A_68, %scan3A_69 : i32
    %scan3A_71 = arith.constant 1 : i32
    %scan3A_72:8 = scf.for %scan3A_129 = %scan3A_68 to %scan3A_70 step %scan3A_71 iter_args(%scan3A_130 = %scan3A_64#0, %scan3A_131 = %scan3A_64#1, %scan3A_132 = %scan3A_64#2, %scan3A_133 = %scan3A_64#3, %scan3A_134 = %scan3A_64#4, %scan3A_135 = %scan3A_64#5, %scan3A_136 = %scan3A_64#6, %scan3A_137 = %scan3A_64#7) -> (vector<16xf32>, vector<16xf32>, vector<16xf32>, vector<16xf32>, vector<16xf32>, vector<16xf32>, vector<16xf32>, vector<16xf32>)  : i32 {
      %get3A = arith.index_cast %scan3A_129 : i32 to index
      %get3A_138 = arith.constant 0 : index
      %get3A_139 = tpu.vector_load %arg4[%get3A, %get3A_138] {strides = array<i32>} : memref<256x128xf32, #tpu.memory_space<vmem>>, vector<1x16xf32>,
      %get3A_140 = vector.shape_cast %get3A_139 : vector<1x16xf32> to vector<16xf32>
      %add3A_141 = arith.addf %scan3A_130, %get3A_140 : vector<16xf32>
      %get3A_142 = arith.index_cast %scan3A_129 : i32 to index
      %get3A_143 = arith.constant 16 : index
      %get3A_144 = tpu.vector_load %arg4[%get3A_142, %get3A_143] {strides = array<i32>} : memref<256x128xf32, #tpu.memory_space<vmem>>, vector<1x16xf32>,
      %get3A_145 = vector.shape_cast %get3A_144 : vector<1x16xf32> to vector<16xf32>
      %add3A_146 = arith.addf %scan3A_131, %get3A_145 : vector<16xf32>
      %get3A_147 = arith.index_cast %scan3A_129 : i32 to index
      %get3A_148 = arith.constant 32 : index
      %get3A_149 = tpu.vector_load %arg4[%get3A_147, %get3A_148] {strides = array<i32>} : memref<256x128xf32, #tpu.memory_space<vmem>>, vector<1x16xf32>,
      %get3A_150 = vector.shape_cast %get3A_149 : vector<1x16xf32> to vector<16xf32>
      %add3A_151 = arith.addf %scan3A_132, %get3A_150 : vector<16xf32>
      %get3A_152 = arith.index_cast %scan3A_129 : i32 to index
      %get3A_153 = arith.constant 48 : index
      %get3A_154 = tpu.vector_load %arg4[%get3A_152, %get3A_153] {strides = array<i32>} : memref<256x128xf32, #tpu.memory_space<vmem>>, vector<1x16xf32>,
      %get3A_155 = vector.shape_cast %get3A_154 : vector<1x16xf32> to vector<16xf32>
      %add3A_156 = arith.addf %scan3A_133, %get3A_155 : vector<16xf32>
      %get3A_157 = arith.index_cast %scan3A_129 : i32 to index
      %get3A_158 = arith.constant 64 : index
      %get3A_159 = tpu.vector_load %arg4[%get3A_157, %get3A_158] {strides = array<i32>} : memref<256x128xf32, #tpu.memory_space<vmem>>, vector<1x16xf32>,
      %get3A_160 = vector.shape_cast %get3A_159 : vector<1x16xf32> to vector<16xf32>
      %add3A_161 = arith.addf %scan3A_134, %get3A_160 : vector<16xf32>
      %get3A_162 = arith.index_cast %scan3A_129 : i32 to index
      %get3A_163 = arith.constant 80 : index
      %get3A_164 = tpu.vector_load %arg4[%get3A_162, %get3A_163] {strides = array<i32>} : memref<256x128xf32, #tpu.memory_space<vmem>>, vector<1x16xf32>,
      %get3A_165 = vector.shape_cast %get3A_164 : vector<1x16xf32> to vector<16xf32>
      %add3A_166 = arith.addf %scan3A_135, %get3A_165 : vector<16xf32>
      %get3A_167 = arith.index_cast %scan3A_129 : i32 to index
      %get3A_168 = arith.constant 96 : index
      %get3A_169 = tpu.vector_load %arg4[%get3A_167, %get3A_168] {strides = array<i32>} : memref<256x128xf32, #tpu.memory_space<vmem>>, vector<1x16xf32>,
      %get3A_170 = vector.shape_cast %get3A_169 : vector<1x16xf32> to vector<16xf32>
      %add3A_171 = arith.addf %scan3A_136, %get3A_170 : vector<16xf32>
      %get3A_172 = arith.index_cast %scan3A_129 : i32 to index
      %get3A_173 = arith.constant 112 : index
      %get3A_174 = tpu.vector_load %arg4[%get3A_172, %get3A_173] {strides = array<i32>} : memref<256x128xf32, #tpu.memory_space<vmem>>, vector<1x16xf32>,
      %get3A_175 = vector.shape_cast %get3A_174 : vector<1x16xf32> to vector<16xf32>
      %add3A_176 = arith.addf %scan3A_137, %get3A_175 : vector<16xf32>
      scf.yield %add3A_141, %add3A_146, %add3A_151, %add3A_156, %add3A_161, %add3A_166, %add3A_171, %add3A_176 : vector<16xf32>, vector<16xf32>, vector<16xf32>, vector<16xf32>, vector<16xf32>, vector<16xf32>, vector<16xf32>, vector<16xf32>
    }
    %scan3A_73 = arith.constant 256 : i32
    %add3A_74 = arith.constant 768 : i32
    %add3A_75 = arith.addi %add3A_35, %add3A_74 : i32
    "tpu.region"() ({
      %run_scoped3A = tpu.sem_alloc : memref<!tpu.dma_semaphore, #tpu.memory_space<semaphore_mem>>
      %dma_start3A = arith.constant 0 : i32
      %dma_start3A_129 = tpu.memref_slice %arg2[%add3A_75, %dma_start3A] : memref<32768x128xf32, #tpu.memory_space<hbm>> -> memref<256x128xf32, #tpu.memory_space<hbm>>
      %dma_start3A_130 = arith.constant 0 : i32
      %dma_start3A_131 = tpu.memref_slice %arg2[%add3A_75, %dma_start3A_130] : memref<32768x128xf32, #tpu.memory_space<hbm>> -> memref<256x128xf32, #tpu.memory_space<hbm>>
      tpu.enqueue_dma source(%dma_start3A_131 : memref<256x128xf32, #tpu.memory_space<hbm>>) target(%arg4 : memref<256x128xf32, #tpu.memory_space<vmem>>) target_semaphore(%run_scoped3A : memref<!tpu.dma_semaphore, #tpu.memory_space<semaphore_mem>>)
      %dma_wait3A = arith.constant 0 : i32
      %dma_wait3A_132 = tpu.memref_slice %arg2[%add3A_75, %dma_wait3A] : memref<32768x128xf32, #tpu.memory_space<hbm>> -> memref<256x128xf32, #tpu.memory_space<hbm>>
      %dma_wait3A_133 = arith.constant 0 : i32
      %dma_wait3A_134 = tpu.memref_slice %arg2[%add3A_75, %dma_wait3A_133] : memref<32768x128xf32, #tpu.memory_space<hbm>> -> memref<256x128xf32, #tpu.memory_space<hbm>>
      tpu.wait_dma2 semaphore(%run_scoped3A : memref<!tpu.dma_semaphore, #tpu.memory_space<semaphore_mem>>) src(%dma_wait3A_134 : memref<256x128xf32, #tpu.memory_space<hbm>>) dst(%arg4 : memref<256x128xf32, #tpu.memory_space<vmem>>)
      tpu.yield
    }) : () -> ()
    %scan3A_76 = arith.constant 0 : i32
    %scan3A_77 = arith.constant 256 : i32
    %scan3A_78 = arith.addi %scan3A_76, %scan3A_77 : i32
    %scan3A_79 = arith.constant 1 : i32
    %scan3A_80:8 = scf.for %scan3A_129 = %scan3A_76 to %scan3A_78 step %scan3A_79 iter_args(%scan3A_130 = %scan3A_72#0, %scan3A_131 = %scan3A_72#1, %scan3A_132 = %scan3A_72#2, %scan3A_133 = %scan3A_72#3, %scan3A_134 = %scan3A_72#4, %scan3A_135 = %scan3A_72#5, %scan3A_136 = %scan3A_72#6, %scan3A_137 = %scan3A_72#7) -> (vector<16xf32>, vector<16xf32>, vector<16xf32>, vector<16xf32>, vector<16xf32>, vector<16xf32>, vector<16xf32>, vector<16xf32>)  : i32 {
      %get3A = arith.index_cast %scan3A_129 : i32 to index
      %get3A_138 = arith.constant 0 : index
      %get3A_139 = tpu.vector_load %arg4[%get3A, %get3A_138] {strides = array<i32>} : memref<256x128xf32, #tpu.memory_space<vmem>>, vector<1x16xf32>,
      %get3A_140 = vector.shape_cast %get3A_139 : vector<1x16xf32> to vector<16xf32>
      %add3A_141 = arith.addf %scan3A_130, %get3A_140 : vector<16xf32>
      %get3A_142 = arith.index_cast %scan3A_129 : i32 to index
      %get3A_143 = arith.constant 16 : index
      %get3A_144 = tpu.vector_load %arg4[%get3A_142, %get3A_143] {strides = array<i32>} : memref<256x128xf32, #tpu.memory_space<vmem>>, vector<1x16xf32>,
      %get3A_145 = vector.shape_cast %get3A_144 : vector<1x16xf32> to vector<16xf32>
      %add3A_146 = arith.addf %scan3A_131, %get3A_145 : vector<16xf32>
      %get3A_147 = arith.index_cast %scan3A_129 : i32 to index
      %get3A_148 = arith.constant 32 : index
      %get3A_149 = tpu.vector_load %arg4[%get3A_147, %get3A_148] {strides = array<i32>} : memref<256x128xf32, #tpu.memory_space<vmem>>, vector<1x16xf32>,
      %get3A_150 = vector.shape_cast %get3A_149 : vector<1x16xf32> to vector<16xf32>
      %add3A_151 = arith.addf %scan3A_132, %get3A_150 : vector<16xf32>
      %get3A_152 = arith.index_cast %scan3A_129 : i32 to index
      %get3A_153 = arith.constant 48 : index
      %get3A_154 = tpu.vector_load %arg4[%get3A_152, %get3A_153] {strides = array<i32>} : memref<256x128xf32, #tpu.memory_space<vmem>>, vector<1x16xf32>,
      %get3A_155 = vector.shape_cast %get3A_154 : vector<1x16xf32> to vector<16xf32>
      %add3A_156 = arith.addf %scan3A_133, %get3A_155 : vector<16xf32>
      %get3A_157 = arith.index_cast %scan3A_129 : i32 to index
      %get3A_158 = arith.constant 64 : index
      %get3A_159 = tpu.vector_load %arg4[%get3A_157, %get3A_158] {strides = array<i32>} : memref<256x128xf32, #tpu.memory_space<vmem>>, vector<1x16xf32>,
      %get3A_160 = vector.shape_cast %get3A_159 : vector<1x16xf32> to vector<16xf32>
      %add3A_161 = arith.addf %scan3A_134, %get3A_160 : vector<16xf32>
      %get3A_162 = arith.index_cast %scan3A_129 : i32 to index
      %get3A_163 = arith.constant 80 : index
      %get3A_164 = tpu.vector_load %arg4[%get3A_162, %get3A_163] {strides = array<i32>} : memref<256x128xf32, #tpu.memory_space<vmem>>, vector<1x16xf32>,
      %get3A_165 = vector.shape_cast %get3A_164 : vector<1x16xf32> to vector<16xf32>
      %add3A_166 = arith.addf %scan3A_135, %get3A_165 : vector<16xf32>
      %get3A_167 = arith.index_cast %scan3A_129 : i32 to index
      %get3A_168 = arith.constant 96 : index
      %get3A_169 = tpu.vector_load %arg4[%get3A_167, %get3A_168] {strides = array<i32>} : memref<256x128xf32, #tpu.memory_space<vmem>>, vector<1x16xf32>,
      %get3A_170 = vector.shape_cast %get3A_169 : vector<1x16xf32> to vector<16xf32>
      %add3A_171 = arith.addf %scan3A_136, %get3A_170 : vector<16xf32>
      %get3A_172 = arith.index_cast %scan3A_129 : i32 to index
      %get3A_173 = arith.constant 112 : index
      %get3A_174 = tpu.vector_load %arg4[%get3A_172, %get3A_173] {strides = array<i32>} : memref<256x128xf32, #tpu.memory_space<vmem>>, vector<1x16xf32>,
      %get3A_175 = vector.shape_cast %get3A_174 : vector<1x16xf32> to vector<16xf32>
      %add3A_176 = arith.addf %scan3A_137, %get3A_175 : vector<16xf32>
      scf.yield %add3A_141, %add3A_146, %add3A_151, %add3A_156, %add3A_161, %add3A_166, %add3A_171, %add3A_176 : vector<16xf32>, vector<16xf32>, vector<16xf32>, vector<16xf32>, vector<16xf32>, vector<16xf32>, vector<16xf32>, vector<16xf32>
    }
    %scan3A_81 = arith.constant 256 : i32
    %swap3A = arith.constant 0 : i32
    %swap3A_82 = arith.index_cast %swap3A : i32 to index
    %swap3A_83 = arith.constant 0 : index
    %swap3A_84 = tpu.vector_load %arg5[%swap3A_82, %swap3A_83] {strides = array<i32>} : memref<1x128xf32, #tpu.memory_space<vmem>>, vector<1x16xf32>,
    %swap3A_85 = vector.shape_cast %swap3A_84 : vector<1x16xf32> to vector<16xf32>
    %swap3A_86 = vector.shape_cast %scan3A_80#0 : vector<16xf32> to vector<1x16xf32>
    tpu.vector_store %arg5[%swap3A_82, %swap3A_83], %swap3A_86 {strides = array<i32>} : memref<1x128xf32, #tpu.memory_space<vmem>>, vector<1x16xf32>,
    %swap3A_87 = arith.constant 0 : i32
    %swap3A_88 = arith.index_cast %swap3A_87 : i32 to index
    %swap3A_89 = arith.constant 16 : index
    %swap3A_90 = tpu.vector_load %arg5[%swap3A_88, %swap3A_89] {strides = array<i32>} : memref<1x128xf32, #tpu.memory_space<vmem>>, vector<1x16xf32>,
    %swap3A_91 = vector.shape_cast %swap3A_90 : vector<1x16xf32> to vector<16xf32>
    %swap3A_92 = vector.shape_cast %scan3A_80#1 : vector<16xf32> to vector<1x16xf32>
    tpu.vector_store %arg5[%swap3A_88, %swap3A_89], %swap3A_92 {strides = array<i32>} : memref<1x128xf32, #tpu.memory_space<vmem>>, vector<1x16xf32>,
    %swap3A_93 = arith.constant 0 : i32
    %swap3A_94 = arith.index_cast %swap3A_93 : i32 to index
    %swap3A_95 = arith.constant 32 : index
    %swap3A_96 = tpu.vector_load %arg5[%swap3A_94, %swap3A_95] {strides = array<i32>} : memref<1x128xf32, #tpu.memory_space<vmem>>, vector<1x16xf32>,
    %swap3A_97 = vector.shape_cast %swap3A_96 : vector<1x16xf32> to vector<16xf32>
    %swap3A_98 = vector.shape_cast %scan3A_80#2 : vector<16xf32> to vector<1x16xf32>
    tpu.vector_store %arg5[%swap3A_94, %swap3A_95], %swap3A_98 {strides = array<i32>} : memref<1x128xf32, #tpu.memory_space<vmem>>, vector<1x16xf32>,
    %swap3A_99 = arith.constant 0 : i32
    %swap3A_100 = arith.index_cast %swap3A_99 : i32 to index
    %swap3A_101 = arith.constant 48 : index
    %swap3A_102 = tpu.vector_load %arg5[%swap3A_100, %swap3A_101] {strides = array<i32>} : memref<1x128xf32, #tpu.memory_space<vmem>>, vector<1x16xf32>,
    %swap3A_103 = vector.shape_cast %swap3A_102 : vector<1x16xf32> to vector<16xf32>
    %swap3A_104 = vector.shape_cast %scan3A_80#3 : vector<16xf32> to vector<1x16xf32>
    tpu.vector_store %arg5[%swap3A_100, %swap3A_101], %swap3A_104 {strides = array<i32>} : memref<1x128xf32, #tpu.memory_space<vmem>>, vector<1x16xf32>,
    %swap3A_105 = arith.constant 0 : i32
    %swap3A_106 = arith.index_cast %swap3A_105 : i32 to index
    %swap3A_107 = arith.constant 64 : index
    %swap3A_108 = tpu.vector_load %arg5[%swap3A_106, %swap3A_107] {strides = array<i32>} : memref<1x128xf32, #tpu.memory_space<vmem>>, vector<1x16xf32>,
    %swap3A_109 = vector.shape_cast %swap3A_108 : vector<1x16xf32> to vector<16xf32>
    %swap3A_110 = vector.shape_cast %scan3A_80#4 : vector<16xf32> to vector<1x16xf32>
    tpu.vector_store %arg5[%swap3A_106, %swap3A_107], %swap3A_110 {strides = array<i32>} : memref<1x128xf32, #tpu.memory_space<vmem>>, vector<1x16xf32>,
    %swap3A_111 = arith.constant 0 : i32
    %swap3A_112 = arith.index_cast %swap3A_111 : i32 to index
    %swap3A_113 = arith.constant 80 : index
    %swap3A_114 = tpu.vector_load %arg5[%swap3A_112, %swap3A_113] {strides = array<i32>} : memref<1x128xf32, #tpu.memory_space<vmem>>, vector<1x16xf32>,
    %swap3A_115 = vector.shape_cast %swap3A_114 : vector<1x16xf32> to vector<16xf32>
    %swap3A_116 = vector.shape_cast %scan3A_80#5 : vector<16xf32> to vector<1x16xf32>
    tpu.vector_store %arg5[%swap3A_112, %swap3A_113], %swap3A_116 {strides = array<i32>} : memref<1x128xf32, #tpu.memory_space<vmem>>, vector<1x16xf32>,
    %swap3A_117 = arith.constant 0 : i32
    %swap3A_118 = arith.index_cast %swap3A_117 : i32 to index
    %swap3A_119 = arith.constant 96 : index
    %swap3A_120 = tpu.vector_load %arg5[%swap3A_118, %swap3A_119] {strides = array<i32>} : memref<1x128xf32, #tpu.memory_space<vmem>>, vector<1x16xf32>,
    %swap3A_121 = vector.shape_cast %swap3A_120 : vector<1x16xf32> to vector<16xf32>
    %swap3A_122 = vector.shape_cast %scan3A_80#6 : vector<16xf32> to vector<1x16xf32>
    tpu.vector_store %arg5[%swap3A_118, %swap3A_119], %swap3A_122 {strides = array<i32>} : memref<1x128xf32, #tpu.memory_space<vmem>>, vector<1x16xf32>,
    %swap3A_123 = arith.constant 0 : i32
    %swap3A_124 = arith.index_cast %swap3A_123 : i32 to index
    %swap3A_125 = arith.constant 112 : index
    %swap3A_126 = tpu.vector_load %arg5[%swap3A_124, %swap3A_125] {strides = array<i32>} : memref<1x128xf32, #tpu.memory_space<vmem>>, vector<1x16xf32>,
    %swap3A_127 = vector.shape_cast %swap3A_126 : vector<1x16xf32> to vector<16xf32>
    %swap3A_128 = vector.shape_cast %scan3A_80#7 : vector<16xf32> to vector<1x16xf32>
    tpu.vector_store %arg5[%swap3A_124, %swap3A_125], %swap3A_128 {strides = array<i32>} : memref<1x128xf32, #tpu.memory_space<vmem>>, vector<1x16xf32>,
    "tpu.region"() ({
      %run_scoped3A = tpu.sem_alloc : memref<!tpu.dma_semaphore, #tpu.memory_space<semaphore_mem>>
      %dma_start3A = arith.constant 0 : i32
      %dma_start3A_129 = tpu.memref_slice %arg3[%add3A, %dma_start3A] : memref<32x128xf32, #tpu.memory_space<hbm>> -> memref<1x128xf32, #tpu.memory_space<hbm>>
      %dma_start3A_130 = arith.constant 0 : i32
      %dma_start3A_131 = tpu.memref_slice %arg3[%add3A, %dma_start3A_130] : memref<32x128xf32, #tpu.memory_space<hbm>> -> memref<1x128xf32, #tpu.memory_space<hbm>>
      tpu.enqueue_dma source(%arg5 : memref<1x128xf32, #tpu.memory_space<vmem>>) target(%dma_start3A_131 : memref<1x128xf32, #tpu.memory_space<hbm>>) target_semaphore(%run_scoped3A : memref<!tpu.dma_semaphore, #tpu.memory_space<semaphore_mem>>)
      %dma_wait3A = arith.constant 0 : i32
      %dma_wait3A_132 = tpu.memref_slice %arg3[%add3A, %dma_wait3A] : memref<32x128xf32, #tpu.memory_space<hbm>> -> memref<1x128xf32, #tpu.memory_space<hbm>>
      %dma_wait3A_133 = arith.constant 0 : i32
      %dma_wait3A_134 = tpu.memref_slice %arg3[%add3A, %dma_wait3A_133] : memref<32x128xf32, #tpu.memory_space<hbm>> -> memref<1x128xf32, #tpu.memory_space<hbm>>
      tpu.wait_dma2 semaphore(%run_scoped3A : memref<!tpu.dma_semaphore, #tpu.memory_space<semaphore_mem>>) src(%arg5 : memref<1x128xf32, #tpu.memory_space<vmem>>) dst(%dma_wait3A_134 : memref<1x128xf32, #tpu.memory_space<hbm>>)
      tpu.yield
    }) : () -> ()
    return
  }
}

module attributes {stable_mosaic.version = 14 : i64} {
  func.func @_tc_affine_body(%arg0: memref<32x128xf32, #tpu.memory_space<vmem>>, %arg1: memref<128x128xf32, #tpu.memory_space<vmem>>, %arg2: memref<1x128xf32, #tpu.memory_space<vmem>>, %arg3: memref<16x128xf32, #tpu.memory_space<vmem>>) attributes {dimension_semantics = [], scalar_prefetch = 0 : i64, scratch_operands = 0 : i64, tpu.core_type = #tpu.core_type<tc>} {
    %get3A = arith.constant 0 : index
    %get3A_0 = arith.constant 0 : index
    %get3A_1 = vector.load %arg0[%get3A, %get3A_0] : memref<32x128xf32, #tpu.memory_space<vmem>>, vector<16x128xf32>
    %get3A_2 = arith.constant 16 : index
    %get3A_3 = arith.constant 0 : index
    %get3A_4 = vector.load %arg0[%get3A_2, %get3A_3] : memref<32x128xf32, #tpu.memory_space<vmem>>, vector<16x128xf32>
    %add3A = arith.addf %get3A_1, %get3A_4 : vector<16x128xf32>
    %get3A_5 = arith.constant 0 : index
    %get3A_6 = arith.constant 0 : index
    %get3A_7 = vector.load %arg1[%get3A_5, %get3A_6] : memref<128x128xf32, #tpu.memory_space<vmem>>, vector<128x128xf32>
    %dot_general3A = arith.constant dense<0.000000e+00> : vector<16x128xf32>
    %dot_general3A_8 = tpu.matmul %add3A, %get3A_7, %dot_general3A {dimension_numbers = #tpu.dot_dimension_numbers<[1], [1], [0], [0], [0, 0, 1, 0], [], []>, transpose_lhs_hint = false} : vector<16x128xf32>, vector<128x128xf32>, vector<16x128xf32> -> vector<16x128xf32>
    %get3A_9 = arith.constant 0 : index
    %get3A_10 = arith.constant 0 : index
    %get3A_11 = vector.load %arg2[%get3A_9, %get3A_10] : memref<1x128xf32, #tpu.memory_space<vmem>>, vector<1x128xf32>
    %mul3A = arith.constant 2.048000e+03 : f32
    %mul3A_12 = vector.broadcast %mul3A : f32 to vector<1x128xf32>
    %mul3A_13 = arith.mulf %mul3A_12, %get3A_11 : vector<1x128xf32>
    %add3A_14 = vector.broadcast %mul3A_13 : vector<1x128xf32> to vector<16x128xf32>
    %add3A_15 = arith.addf %dot_general3A_8, %add3A_14 : vector<16x128xf32>
    %swap3A = arith.constant 0 : index
    %swap3A_16 = arith.constant 0 : index
    %swap3A_17 = vector.load %arg3[%swap3A, %swap3A_16] : memref<16x128xf32, #tpu.memory_space<vmem>>, vector<16x128xf32>
    tpu.vector_store %arg3[%swap3A, %swap3A_16], %add3A_15 {strides = array<i32>} : memref<16x128xf32, #tpu.memory_space<vmem>>, vector<16x128xf32>,
    return
  }
}

</mosaic_0001>

<sc_bundles>
// kernel: kernel.4.cloned.1.call-start
scs
__scs_entry_jumppad:
0x0: {  	(pc) =	sbr.rel $0x88, $3  }
0x1: {  	(tag) =	ssettag $0x0;
	lr =	simm.s32 $0x1  }
0x2: {  	[smem:$0x3F9E] =	sst lr;
	_ =	strace $0xD0000000  }
0x3: {  	_ = 	snop  }
0x4: {  	_ = 	snop  }
0x5: {  	_ = 	snop  }
0x6: {  	_ = 	snop  }
0x7: {  	_ = 	snop  }
__scs_overlays_trampoline_lowered:
0x8: {  	[smem:$0x3FAD] =	sst s0  }
0x9: {  	[smem:$0x3FAE] =	sst s1  }
0xa: {  	[smem:$0x3FAF] =	sst s2  }
0xb: {  	[smem:$0x3FB0] =	sst s3  }
0xc: {  	[smem:$0x3FB1] =	sst s4  }
0xd: {  	[smem:$0x3FB2] =	sst s5  }
0xe: {  	[smem:$0x3FB3] =	sst s6  }
0xf: {  	[smem:$0x3FB4] =	sst s7  }
0x10: {  	[smem:$0x3FB5] =	sst s8  }
0x11: {  	[smem:$0x3FB6] =	sst s9;
	s0 =	simm.s32 @!p0 $0x0  }
0x12: {  	s1 =	sld [smem:$0x3F9C];
	s0 =	simm.s32 @p0 $0x1  }
0x13: {  	[smem:$0x3FB7] =	sst s0;
	s0 =	simm.s32 @!p1 $0x0  }
0x14: {  	s2 =	sld [smem:$0x3F9B];
	s0 =	simm.s32 @p1 $0x1  }
0x15: {  	[smem:$0x3FB8] =	sst s0;
	s0 =	simm.s32 @!p2 $0x0  }
0x16: {  	s3 =	sld [smem:$0x3FDB];
	s0 =	simm.s32 @p2 $0x1  }
0x17: {  	s4 =	simm.s32 $0x1BF5;
	[smem:$0x3FBA] =	sst s0  }
0x18: {  	s0 =	sld [smem:$0x3F9D];
	_ =	swait.ge [sflag:s4], $0x0  }
0x19: {  	s7 =	sld [smem:$0x3F9E]  }
0x1a: {  	s8 =	sadd.s32 $0xFFFFE003, lr  }
0x1b: {  	s9 =	sadd.s32 $0xFFFFFEF7, lr;
	s5 =	simm.s32 $0xFFFFFFFF;
	p2 =	slt.u32 s8, $0xFFFFF086  }
0x1c: {  	p1 =	slt.u32 s9, $0xF7A;
	s5 =	simm.s32 @!p2 $0x0  }
0x1d: {  	s5 =	simm.s32 @p1 $0x1;
	p0 =	seq.s32 s7, s2  }
0x1e: {  	s7 =	smul.u32 @!p0 $0xF7A, s2;
	p2 =	seq.s32 @!p0 s5, $0x0  }
0x1f: {  	s9 =	smul.u32 $0xF7A, s1;
	s8 =	simm.s32 @!p0 $0x1BF5;
	p2 =	por !p2, p0  }
0x20: {  	[sflag:s8] =	ssyncset.s32 @!p0 $0xFFFFF086;
	s6 =	sadd.s32 @!p0 s3, s7;
	s7 =	simm.s32 @!p0 $0x108  }
0x21: {  	s3 =	sadd.s32 s3, s9;
	s6 =	sadd.s32 @!p0 $0x88, s6;
	s7 =	simm.s32 @p2 $0x1082  }
0x22: {  	[simem:s7], [sflag:s8] =	dma.local @!p0 [hbm:s6], $0xF7A  }
0x23: {  	s9 =	sor.u32 $0xD0000000, s2;
	s6 =	simm.s32 $0x108;
	_ =	swait.ge @!p0 [sflag:s8], $0x0  }
0x24: {  	s3 =	sadd.s32 $0x88, s3;
	s6 =	simm.s32 @!p1 $0x1082;
	[sflag:s4] =	ssyncset.s32 $0xFFFFF086  }
0x25: {  	[simem:s6], [sflag:s4] =	dma.local [hbm:s3], $0xF7A  }
0x26: {  	[smem:$0x3F9E] =	sst s1;
	(tag) =	ssettag s2;
	_ =	strace s9  }
0x27: {  	s1 =	sld [smem:$0x3FAE]  }
0x28: {  	s2 =	sld [smem:$0x3FAF]  }
0x29: {  	s4 =	sld [smem:$0x3FB1]  }
0x2a: {  	p0 =	seq.s32 s5, $0x0;
	s5 =	sld [smem:$0x3FB2]  }
0x2b: {  	s6 =	sld [smem:$0x3FB3]  }
0x2c: {  	s7 =	sld [smem:$0x3FB4]  }
0x2d: {  	s3 =	simm.s32 $0x108;
	s8 =	sld [smem:$0x3FB5]  }
0x2e: {  	s3 =	simm.s32 @!p0 $0x1082;
	s9 =	sld [smem:$0x3FB6]  }
0x2f: {  	lr =	sadd.s32 s0, s3;
	s0 =	sld [smem:$0x3FAD]  }
0x30: {  	s3 =	sld [smem:$0x3FB0]  }
0x31: {  	[smem:$0x3FB9] =	sst s10  }
0x32: {  	s10 =	sld [smem:$0x3FB7];
	_ =	sdelay $0x3  }
0x33: {  	p0 =	seq.s32 s10, $0x1;
	s10 =	sld [smem:$0x3FB9];
	_ =	sdelay $0x3  }
0x34: {  	[smem:$0x3FB9] =	sst s10  }
0x35: {  	s10 =	sld [smem:$0x3FB8];
	_ =	sdelay $0x3  }
0x36: {  	p1 =	seq.s32 s10, $0x1;
	s10 =	sld [smem:$0x3FB9];
	_ =	sdelay $0x3  }
0x37: {  	[smem:$0x3FB9] =	sst s10  }
0x38: {  	s10 =	sld [smem:$0x3FBA]  }
0x39: {  	_ = 	snop;
	(pc) =	sbr.ind lr, $3  }
0x3a: {  	_ = 	snop  }
0x3b: {  	_ = 	snop  }
0x3c: {  	p2 =	seq.s32 s10, $0x1;
	s10 =	sld [smem:$0x3FB9]  }
0x3d: {  	_ =	shalt  }
0x3e: {  	_ =	shalt  }
0x3f: {  	_ =	shalt  }
0x40: {  	_ =	shalt  }
0x41: {  	_ =	shalt  }
0x42: {  	_ =	shalt  }
0x43: {  	_ =	shalt  }
0x44: {  	_ =	shalt  }
0x45: {  	_ =	shalt  }
0x46: {  	_ =	shalt  }
0x47: {  	_ =	shalt  }
0x48: {  	_ =	shalt  }
0x49: {  	_ =	shalt  }
0x4a: {  	_ =	shalt  }
0x4b: {  	_ =	shalt  }
0x4c: {  	_ =	shalt  }
0x4d: {  	_ =	shalt  }
0x4e: {  	_ =	shalt  }
0x4f: {  	_ =	shalt  }
0x50: {  	_ =	shalt  }
0x51: {  	_ =	shalt  }
0x52: {  	_ =	shalt  }
0x53: {  	_ =	shalt  }
0x54: {  	_ =	shalt  }
0x55: {  	_ =	shalt  }
0x56: {  	_ =	shalt  }
0x57: {  	_ =	shalt  }
0x58: {  	_ =	shalt  }
0x59: {  	_ =	shalt  }
0x5a: {  	_ =	shalt  }
0x5b: {  	_ =	shalt  }
0x5c: {  	_ =	shalt  }
0x5d: {  	_ =	shalt  }
0x5e: {  	_ =	shalt  }
0x5f: {  	_ =	shalt  }
0x60: {  	_ =	shalt  }
0x61: {  	_ =	shalt  }
0x62: {  	_ =	shalt  }
0x63: {  	_ =	shalt  }
0x64: {  	_ =	shalt  }
0x65: {  	_ =	shalt  }
0x66: {  	_ =	shalt  }
0x67: {  	_ =	shalt  }
0x68: {  	_ =	shalt  }
0x69: {  	_ =	shalt  }
0x6a: {  	_ =	shalt  }
0x6b: {  	_ =	shalt  }
0x6c: {  	_ =	shalt  }
0x6d: {  	_ =	shalt  }
0x6e: {  	_ =	shalt  }
0x6f: {  	_ =	shalt  }
0x70: {  	_ =	shalt  }
0x71: {  	_ =	shalt  }
0x72: {  	_ =	shalt  }
0x73: {  	_ =	shalt  }
0x74: {  	_ =	shalt  }
0x75: {  	_ =	shalt  }
0x76: {  	_ =	shalt  }
0x77: {  	_ =	shalt  }
0x78: {  	_ =	shalt  }
0x79: {  	_ =	shalt  }
0x7a: {  	_ =	shalt  }
0x7b: {  	_ =	shalt  }
0x7c: {  	_ =	shalt  }
0x7d: {  	_ =	shalt  }
0x7e: {  	_ =	shalt  }
0x7f: {  	_ =	shalt  }
0x80: {  	_ =	shalt  }
0x81: {  	_ =	shalt  }
0x82: {  	_ =	shalt  }
0x83: {  	_ =	shalt  }
0x84: {  	_ =	shalt  }
0x85: {  	_ =	shalt  }
0x86: {  	_ =	shalt  }
0x87: {  	_ =	shalt  }
.Lfunc_end0:
.L_simem_size_0:
called_computation_lowered:
.L_overlay_start_0:
0x88: {  	s2 =	sld [smem:$0x3FD9]  }
0x89: {  	s3 =	sld [smem:$0x3FFE];
	_ =	sdelay $0x1  }
0x8a: {  	s1 =	srdreg.scid  }
0x8b: {  	s0 =	sand.u32 $0x1, s1  }
0x8c: {  	s17 =	sshll.u32 s0, $0xA;
	s2 =	sadd.s32 s3, s2  }
0x8d: {  	s2 =	sadd.s32 s2, s17  }
0x8e: {  	[smem:$0x3FC5] =	sst s2  }
0x8f: {  	_ = 	snop  }
0x90: {  	s2 =	sld [smem:$0x3FC9];
	(tm) =	ssettm $0x1  }
0x91: {  	s18 =	sld [smem:$0x3FFB];
	_ =	sdelay $0x3  }
0x92: {  	_ =	strace s18  }
0x93: {  	s3 =	sld [smem:$0x3FFC];
	_ =	sdelay $0x3  }
0x94: {  	_ =	strace s3  }
0x95: {  	s3 =	sld [smem:$0x3FFD];
	_ =	sdelay $0x3  }
0x96: {  	_ =	strace s3  }
0x97: {  	_ =	strace $0x8FFFFFFF  }
0x98: {  	s19 =	sld [smem:$0x3FDB];
	_ =	sdelay $0x1  }
0x99: {  	s4 =	simm.s32 $_scs_section_size  }
0x9a: {  	s5 =	simm.s32 $_size__tile_overlayer_lowered;
	s6 =	simm.s32 $_tile_overlayer_lowered  }
0x9b: {  	s22 =	simm.s32 $0x1BFF;
	s21 =	sshll.u32 s6, $0x1;
	s3 =	sadd.s32 s4, s19  }
0x9c: {  	s7 =	simm.s32 $0x0;
	s20 =	sshll.u32 s5, $0x1;
	s5 =	sadd.s32 s21, s3  }
0x9d: {  	[timem:s7], [sflag:s22] =	dma.local [hbm:s5], s20  }
0x9e: {  	_ =	swait.ge [sflag:s22], s20  }
0x9f: {  	s4 =	ssub.s32 $0x0, s20;
	[sflag:s22] =	ssyncset.done $0x0  }
0xa0: {  	[sflag:s22] =	ssyncadd.s32 s4;
	_ =	sdelay $0x1  }
0xa1: {  	s23 =	simm.s32 $0x1B8B  }
0xa2: {  	_ =	swait.ge [sflag:s23], $0x1  }
0xa3: {  	[sflag:s23] =	ssyncset.done $0x0  }
0xa4: {  	s25 =	simm.s32 $0x1B8E;
	s24 =	sld [smem:$0x3FFE];
	[sflag:s23] =	ssyncadd.s32 $0xFFFFFFFF  }
0xa5: {  	s26 =	simm.s32 $execute0_lowered;
	[smem:$0x3FD2] =	sst s25  }
0xa6: {  	s5 =	sshll.u32 s26, $0x1;
	_ =	strace $0x80000046;
	[dreg:$0x1] =	wrdreg $0xFFFFFFFF  }
0xa7: {  	s28 =	simm.s32 $_size_execute0_lowered;
	s3 =	sadd.s32 s3, s5;
	[dreg:$0x0] =	wrdreg $0x0  }
0xa8: {  	s5 =	sshll.u32 s28, $0x1;
	[dreg:$0x2] =	wrdreg s3  }
0xa9: {  	[dreg:$0x3] =	wrdreg s5  }
0xaa: {  	[dreg:$0x4] =	wrdreg $0xC0  }
0xab: {  	_ =	task [dreg:s7], $0x5FFFF  }
0xac: {  	[dreg:$0x1] =	wrdreg $0xFFFFFFFF  }
0xad: {  	[dreg:$0x0] =	wrdreg $0x60  }
0xae: {  	[dreg:$0x2] =	wrdreg s2  }
0xaf: {  	[dreg:$0x3] =	wrdreg s24  }
0xb0: {  	[dreg:$0x4] =	wrdreg $0x9  }
0xb1: {  	_ =	task.clear_ibuf [dreg:s7], $0x5FFFF;
	_ =	strace $0x90000046  }
0xb2: {  	s29 =	simm.s32 $0x9;
	_ =	strace $0x80000048  }
0xb3: {  	_ =	swait.ge [sflag:s29], $0x1  }
0xb4: {  	[sflag:s29] =	ssyncadd.s32 $0xFFFFFFFF  }
0xb5: {  	_ =	strace $0x90000048  }
0xb6: {  	_ =	sfence  }
0xb7: {  	s30 =	sld [smem:$0x0];
	_ =	sdelay $0x2  }
0xb8: {  	s31 =	sshll.u32 s1, $0xD;
	s1 =	sshrl.u32 s1, $0x2  }
0xb9: {  	s3 =	sand.u32 $0x4000, s31;
	s1 =	sadd.s32 s1, s30  }
0xba: {  	s0 =	sor.u32 s3, s0;
	s1 =	sshll.u32 s1, $0x11  }
0xbb: {  	s0 =	sor.u32 s1, s0  }
0xbc: {  	s0 =	sadd.s32 $0x8F2B, s0  }
0xbd: {  	[sflag:s0] =	ssyncadd.remote.s32 $0x1  }
0xbe: {  	_ =	sfence.sel $0xFFFF  }
0xbf: {  	[dreg:$0x0] =	wrdreg $0xFFFFFFFF;
	(pc) =	sbr.abs _section_cstart, $3  }
0xc0: {  	[dreg:$0x1] =	wrdreg $0xFFFFFFFF  }
0xc1: {  	_ =	task.clear_ibuf [dreg:s7], $0x2FFFF;
	_ =	strace $0x9FFFFFFF  }
0xc2: {  	(tm) =	ssettm $0x7FFFFFFF  }
0xc3: {  	_ =	shalt  }
tec
execute0_lowered:
.L_overlay_start_1:
0x0: {  	(tag) =	ssettag $0x1  }
0x1: {  	s3 =	rddreg [dreg:$0x0];
	s1 =	srdreg.scid  }
0x2: {  	s0 =	stileid.u32;
	s4 =	rddreg [dreg:$0x1];
	s2 =	simm.s32 $0x0  }
0x3: {  	s10 =	simm.s32 $0x8000;
	s5 =	sand.u32 $0x1, s1;
	s1 =	rddreg [dreg:$0x2]  }
0x4: {  	s11 =	simm.s32 $0x0;
	s6 =	sshll.u32 s0, $0x1;
	[smem:$0x7FF] =	sst s2  }
0x5: {  	s8 =	sshll.u32 s0, $0xB;
	s6 =	sor.u32 s5, s6;
	s5 =	ssub.s32 $0x2, s5  }
0x6: {  	_ =	strace $0x80000047;
	s7 =	sshll.u32 s6, $0xF;
	s31 =	sshrl.u32 s5, $0x1  }
0x7: {  	s6 =	sshll.u32 s6, $0x4;
	s7 =	sor.u32 s8, s7;
	s9 =	ssub.s32 s5, s31  }
0x8: {  	s30 =	sadd.s32 s6, s4;
	s7 =	sand.u32 $0x7C000, s7;
	s8 =	smax.u32 s9, $0x1  }
0x9: {  	s9 =	simm.s32 $0x1;
	s3 =	sadd.s32 s3, s7;
	s7 =	sadd.s32 $0xA00, s30  }
0xa: {  	s4 =	sadd.s32 $0x1000, s3;
	s5 =	sadd.s32 $0x2000, s3;
	s6 =	sadd.s32 $0x3000, s3  }
.LBB2_1:
0xb: {  	[tilespmem:s2], [sflag:$0x1] =	stream.linear.gather [hbm4b:s3+s2], $0x8000, $0x38;
	[tilespmem:$0x8080] =	vst v63  }
0xc: {  	_ =	swait.ge [sflag:s9], $0x8000  }
0xd: {  	[sflag:s9] =	ssyncset.done $0x0  }
0xe: {  	s14 =	simm.s32 $0x0;
	[sflag:s9] =	ssyncadd.s32 $0xFFFF8000  }
0xf: {  	v0 =	vld [tilespmem:s14+$0x70]  }
0x10: {  	v2 =	vld [tilespmem:s14+$0x0]  }
0x11: {  	v4 =	vld [tilespmem:s14+$0x10]  }
0x12: {  	v5 =	vld [tilespmem:s14+$0x20]  }
0x13: {  	v8 =	vld [tilespmem:s14+$0x30]  }
0x14: {  	v3 =	vimm.f32 $0.0e+00;
	v9 =	vimm.f32 $0.0e+00;
	v6 =	vld [tilespmem:s14+$0x40]  }
0x15: {  	v10 =	vimm.f32 $0.0e+00;
	v7 =	vimm.f32 $0.0e+00;
	v11 =	vld [tilespmem:s14+$0x50];
	v1 =	vadd.f32 v0, v3  }
0x16: {  	s12 =	simm.s32 $0x80;
	s13 =	simm.s32 $0x400;
	v12 =	vld [tilespmem:s14+$0x60];
	v0 =	vadd.f32 v2, v3;
	v2 =	vadd.f32 v4, v3;
	v4 =	vimm.f32 $0.0e+00  }
.LBB2_2:
0x17: {  	p0 =	sne.s32 s13, $0x1FE00;
	v13 =	vld [tilespmem:s12+$0x70];
	v3 =	vadd.f32 v5, v3  }
0x18: {  	v14 =	vld [tilespmem:s12+$0x0];
	v4 =	vadd.f32 v8, v4  }
0x19: {  	v15 =	vld [tilespmem:s12+$0x10];
	v9 =	vadd.f32 v6, v9  }
.Ltmp0:
0x1a: {  	v5 =	vld [tilespmem:s12+$0x20];
	v10 =	vadd.f32 v11, v10;
	(pc) =	sbr.rel @p0 .LBB2_2-.Ltmp0, $4  }
0x1b: {  	v8 =	vld [tilespmem:s12+$0x30];
	v7 =	vadd.f32 v12, v7  }
0x1c: {  	v6 =	vld [tilespmem:s12+$0x40];
	v1 =	vadd.f32 v13, v1  }
0x1d: {  	v0 =	vadd.f32 v14, v0;
	v11 =	vld [tilespmem:s12+$0x50]  }
0x1e: {  	v2 =	vadd.f32 v15, v2;
	v12 =	vld [tilespmem:s12+$0x60];
	s12 =	sshra.s32 s13, $0x2;
	s13 =	sadd.s32 $0x200, s13  }
0x1f: {  	v13 =	vld [tilespmem:s12+$0x70]  }
0x20: {  	v14 =	vld [tilespmem:s12+$0x0]  }
0x21: {  	v15 =	vld [tilespmem:s12+$0x10]  }
0x22: {  	v16 =	vld [tilespmem:s12+$0x20]  }
0x23: {  	v17 =	vld [tilespmem:s12+$0x30]  }
0x24: {  	v18 =	vld [tilespmem:s12+$0x40]  }
0x25: {  	v19 =	vld [tilespmem:s12+$0x50];
	s31 =	simm.s32 $0x0  }
0x26: {  	v20 =	vld [tilespmem:s12+$0x60];
	[tilespmem:s31], [sflag:$0x1] =	stream.linear.gather [hbm4b:s4+s31], $0x8000, $0x38  }
0x27: {  	_ =	swait.ge [sflag:s9], $0x8000  }
0x28: {  	[sflag:s9] =	ssyncset.done $0x0  }
0x29: {  	s14 =	simm.s32 $0x0;
	[sflag:s9] =	ssyncadd.s32 $0xFFFF8000  }
0x2a: {  	v3 =	vadd.f32 v5, v3;
	v4 =	vadd.f32 v8, v4;
	v5 =	vld [tilespmem:s14+$0x70]  }
0x2b: {  	v6 =	vadd.f32 v6, v9;
	v10 =	vadd.f32 v11, v10;
	v21 =	vld [tilespmem:s14+$0x0]  }
0x2c: {  	v7 =	vadd.f32 v12, v7;
	v11 =	vadd.f32 v13, v1;
	v12 =	vld [tilespmem:s14+$0x10]  }
0x2d: {  	v13 =	vadd.f32 v14, v0;
	v14 =	vadd.f32 v15, v2;
	v8 =	vld [tilespmem:s14+$0x20]  }
0x2e: {  	v0 =	vadd.f32 v16, v3;
	v1 =	vadd.f32 v17, v4;
	v9 =	vld [tilespmem:s14+$0x30]  }
0x2f: {  	v2 =	vadd.f32 v18, v6;
	v3 =	vadd.f32 v19, v10;
	v10 =	vld [tilespmem:s14+$0x40]  }
0x30: {  	v4 =	vadd.f32 v20, v7;
	v5 =	vadd.f32 v5, v11;
	v11 =	vld [tilespmem:s14+$0x50]  }
0x31: {  	s12 =	simm.s32 $0x80;
	s13 =	simm.s32 $0x400;
	v6 =	vadd.f32 v21, v13;
	v7 =	vadd.f32 v12, v14;
	v12 =	vld [tilespmem:s14+$0x60]  }
.LBB2_4:
0x32: {  	p0 =	sne.s32 s13, $0x1FE00;
	v13 =	vld [tilespmem:s12+$0x70];
	v0 =	vadd.f32 v8, v0  }
0x33: {  	v14 =	vld [tilespmem:s12+$0x0];
	v1 =	vadd.f32 v9, v1  }
0x34: {  	v15 =	vld [tilespmem:s12+$0x10];
	v2 =	vadd.f32 v10, v2  }
.Ltmp1:
0x35: {  	v8 =	vld [tilespmem:s12+$0x20];
	v3 =	vadd.f32 v11, v3;
	(pc) =	sbr.rel @p0 .LBB2_4-.Ltmp1, $4  }
0x36: {  	v9 =	vld [tilespmem:s12+$0x30];
	v4 =	vadd.f32 v12, v4  }
0x37: {  	v10 =	vld [tilespmem:s12+$0x40];
	v5 =	vadd.f32 v13, v5  }
0x38: {  	v6 =	vadd.f32 v14, v6;
	v11 =	vld [tilespmem:s12+$0x50]  }
0x39: {  	v7 =	vadd.f32 v15, v7;
	v12 =	vld [tilespmem:s12+$0x60];
	s12 =	sshra.s32 s13, $0x2;
	s13 =	sadd.s32 $0x200, s13  }
0x3a: {  	v13 =	vld [tilespmem:s12+$0x70]  }
0x3b: {  	v14 =	vld [tilespmem:s12+$0x0]  }
0x3c: {  	v15 =	vld [tilespmem:s12+$0x10]  }
0x3d: {  	v16 =	vld [tilespmem:s12+$0x20]  }
0x3e: {  	v17 =	vld [tilespmem:s12+$0x30]  }
0x3f: {  	v18 =	vld [tilespmem:s12+$0x40]  }
0x40: {  	v19 =	vld [tilespmem:s12+$0x50];
	s31 =	simm.s32 $0x0  }
0x41: {  	v20 =	vld [tilespmem:s12+$0x60];
	[tilespmem:s31], [sflag:$0x1] =	stream.linear.gather [hbm4b:s5+s31], $0x8000, $0x38  }
0x42: {  	_ =	swait.ge [sflag:s9], $0x8000  }
0x43: {  	[sflag:s9] =	ssyncset.done $0x0  }
0x44: {  	s14 =	simm.s32 $0x0;
	[sflag:s9] =	ssyncadd.s32 $0xFFFF8000  }
0x45: {  	v0 =	vadd.f32 v8, v0;
	v1 =	vadd.f32 v9, v1;
	v21 =	vld [tilespmem:s14+$0x70]  }
0x46: {  	v2 =	vadd.f32 v10, v2;
	v3 =	vadd.f32 v11, v3;
	v22 =	vld [tilespmem:s14+$0x0]  }
0x47: {  	v4 =	vadd.f32 v12, v4;
	v5 =	vadd.f32 v13, v5;
	v12 =	vld [tilespmem:s14+$0x10]  }
0x48: {  	v6 =	vadd.f32 v14, v6;
	v7 =	vadd.f32 v15, v7;
	v8 =	vld [tilespmem:s14+$0x20]  }
0x49: {  	v0 =	vadd.f32 v16, v0;
	v1 =	vadd.f32 v17, v1;
	v9 =	vld [tilespmem:s14+$0x30]  }
0x4a: {  	v2 =	vadd.f32 v18, v2;
	v3 =	vadd.f32 v19, v3;
	v10 =	vld [tilespmem:s14+$0x40]  }
0x4b: {  	v11 =	vld [tilespmem:s14+$0x50];
	v4 =	vadd.f32 v20, v4;
	v5 =	vadd.f32 v21, v5  }
0x4c: {  	s12 =	simm.s32 $0x80;
	s13 =	simm.s32 $0x400;
	v6 =	vadd.f32 v22, v6;
	v7 =	vadd.f32 v12, v7;
	v12 =	vld [tilespmem:s14+$0x60]  }
.LBB2_6:
0x4d: {  	p0 =	sne.s32 s13, $0x1FE00;
	v13 =	vld [tilespmem:s12+$0x70];
	v0 =	vadd.f32 v8, v0  }
0x4e: {  	v14 =	vld [tilespmem:s12+$0x0];
	v1 =	vadd.f32 v9, v1  }
0x4f: {  	v15 =	vld [tilespmem:s12+$0x10];
	v2 =	vadd.f32 v10, v2  }
.Ltmp2:
0x50: {  	v8 =	vld [tilespmem:s12+$0x20];
	v3 =	vadd.f32 v11, v3;
	(pc) =	sbr.rel @p0 .LBB2_6-.Ltmp2, $4  }
0x51: {  	v9 =	vld [tilespmem:s12+$0x30];
	v4 =	vadd.f32 v12, v4  }
0x52: {  	v10 =	vld [tilespmem:s12+$0x40];
	v5 =	vadd.f32 v13, v5  }
0x53: {  	v6 =	vadd.f32 v14, v6;
	v11 =	vld [tilespmem:s12+$0x50]  }
0x54: {  	v7 =	vadd.f32 v15, v7;
	v12 =	vld [tilespmem:s12+$0x60];
	s12 =	sshra.s32 s13, $0x2;
	s13 =	sadd.s32 $0x200, s13  }
0x55: {  	v13 =	vld [tilespmem:s12+$0x70]  }
0x56: {  	v14 =	vld [tilespmem:s12+$0x0]  }
0x57: {  	v15 =	vld [tilespmem:s12+$0x10]  }
0x58: {  	v16 =	vld [tilespmem:s12+$0x20]  }
0x59: {  	v17 =	vld [tilespmem:s12+$0x30]  }
0x5a: {  	v18 =	vld [tilespmem:s12+$0x40]  }
0x5b: {  	v19 =	vld [tilespmem:s12+$0x50];
	s31 =	simm.s32 $0x0  }
0x5c: {  	v20 =	vld [tilespmem:s12+$0x60];
	[tilespmem:s31], [sflag:$0x1] =	stream.linear.gather [hbm4b:s6+s31], $0x8000, $0x38  }
0x5d: {  	_ =	swait.ge [sflag:s9], $0x8000  }
0x5e: {  	[sflag:s9] =	ssyncset.done $0x0  }
0x5f: {  	s14 =	simm.s32 $0x0;
	[sflag:s9] =	ssyncadd.s32 $0xFFFF8000  }
0x60: {  	v0 =	vadd.f32 v8, v0;
	v1 =	vadd.f32 v9, v1;
	v9 =	vld [tilespmem:s14+$0x70]  }
0x61: {  	v2 =	vadd.f32 v10, v2;
	v8 =	vadd.f32 v11, v3;
	v10 =	vld [tilespmem:s14+$0x0]  }
0x62: {  	v11 =	vadd.f32 v12, v4;
	v12 =	vadd.f32 v13, v5;
	v13 =	vld [tilespmem:s14+$0x10]  }
0x63: {  	v14 =	vadd.f32 v14, v6;
	v15 =	vadd.f32 v15, v7;
	v6 =	vld [tilespmem:s14+$0x20]  }
0x64: {  	v5 =	vadd.f32 v16, v0;
	v4 =	vadd.f32 v17, v1;
	v7 =	vld [tilespmem:s14+$0x30]  }
0x65: {  	v3 =	vadd.f32 v18, v2;
	v2 =	vadd.f32 v19, v8;
	v8 =	vld [tilespmem:s14+$0x40]  }
0x66: {  	v1 =	vadd.f32 v20, v11;
	v0 =	vadd.f32 v9, v12;
	v9 =	vld [tilespmem:s14+$0x50]  }
0x67: {  	s12 =	simm.s32 $0x80;
	s13 =	simm.s32 $0x400;
	v10 =	vadd.f32 v10, v14;
	v11 =	vadd.f32 v13, v15;
	v12 =	vld [tilespmem:s14+$0x60]  }
.LBB2_8:
0x68: {  	p0 =	sne.s32 s13, $0x1FE00;
	v13 =	vld [tilespmem:s12+$0x70];
	v5 =	vadd.f32 v6, v5  }
0x69: {  	v14 =	vld [tilespmem:s12+$0x0];
	v4 =	vadd.f32 v7, v4  }
0x6a: {  	v15 =	vld [tilespmem:s12+$0x10];
	v3 =	vadd.f32 v8, v3  }
.Ltmp3:
0x6b: {  	v6 =	vld [tilespmem:s12+$0x20];
	v2 =	vadd.f32 v9, v2;
	(pc) =	sbr.rel @p0 .LBB2_8-.Ltmp3, $4  }
0x6c: {  	v7 =	vld [tilespmem:s12+$0x30];
	v1 =	vadd.f32 v12, v1  }
0x6d: {  	v8 =	vld [tilespmem:s12+$0x40];
	v0 =	vadd.f32 v13, v0  }
0x6e: {  	v10 =	vadd.f32 v14, v10;
	v9 =	vld [tilespmem:s12+$0x50]  }
0x6f: {  	v11 =	vadd.f32 v15, v11;
	v12 =	vld [tilespmem:s12+$0x60];
	s12 =	sshra.s32 s13, $0x2;
	s13 =	sadd.s32 $0x200, s13  }
0x70: {  	v14 =	vld [tilespmem:s12+$0x0]  }
0x71: {  	v15 =	vld [tilespmem:s12+$0x10]  }
0x72: {  	v16 =	vld [tilespmem:s12+$0x20]  }
0x73: {  	v17 =	vld [tilespmem:s12+$0x30]  }
0x74: {  	v18 =	vld [tilespmem:s12+$0x40]  }
0x75: {  	v5 =	vadd.f32 v6, v5;
	v61 =	vld [tilespmem:s12+$0x50];
	v60 =	vadd.f32 v14, v10  }
0x76: {  	v13 =	vld [tilespmem:s12+$0x70];
	v4 =	vadd.f32 v7, v4;
	v62 =	vadd.f32 v15, v11  }
0x77: {  	v63 =	vld [tilespmem:s12+$0x60];
	v3 =	vadd.f32 v8, v3;
	v5 =	vadd.f32 v16, v5;
	[tilespmem:$0x8000] =	vst v60  }
0x78: {  	v2 =	vadd.f32 v9, v2;
	v4 =	vadd.f32 v17, v4;
	[tilespmem:$0x8010] =	vst v62  }
0x79: {  	v3 =	vadd.f32 v18, v3;
	[tilespmem:$0x8020] =	vst v5  }
0x7a: {  	v1 =	vadd.f32 v12, v1;
	v2 =	vadd.f32 v61, v2;
	[tilespmem:$0x8030] =	vst v4  }
0x7b: {  	v0 =	vadd.f32 v13, v0;
	[tilespmem:$0x8040] =	vst v3  }
0x7c: {  	s11 =	sadd.s32 $0x1, s11;
	v1 =	vadd.f32 v63, v1;
	[tilespmem:$0x8050] =	vst v2  }
0x7d: {  	p0 =	sne.s32 s11, s8;
	[tilespmem:$0x8070] =	vst v0  }
.Ltmp4:
0x7e: {  	[tilespmem:$0x8060] =	vst v1;
	(pc) =	sbr.rel @p0 .LBB2_1-.Ltmp4, $4  }
0x7f: {  	[hbm4b:s7+s2] =	stream.linear.scatter [tilespmem:s10], [sflag:$0x1], $0x80, $0x38;
	[tilespmem:$0x8080] =	vst v63  }
0x80: {  	_ =	swait.ge [sflag:s9], $0x80  }
0x81: {  	[sflag:s9] =	ssyncset.done $0x0  }
0x82: {  	[sflag:s9] =	ssyncadd.s32 $0xFFFFFF80  }
0x83: {  	_ =	sfence.sel $0x180000  }
0x84: {  	[bflag:$0x0] =	sbarrier.arrive $0xFFFF  }
0x85: {  	p0 =	sne.s32 s0, $0x0;
	_ =	strace $0x90000047  }
0x86: {  	s0 =	sadd.s32 @!p0 $0x100000, s1;
	[bflag:$0x2] =	sbarrier.arrive $0xFFFF  }
0x87: {  	[sflag:s0] =	ssyncadd.tile.s32 @!p0 $0x1;
	_ =	shalt  }
.Lfunc_end2:
_tile_overlayer_lowered:
.L_overlay_start_2:
0x88: {  	(tag) =	ssettag $0x2  }
0x89: {  	s0 =	rddreg [dreg:$0x0];
	s2 =	stileid.u32  }
0x8a: {  	s1 =	rddreg [dreg:$0x1];
	p0 =	sne.s32 s2, $0x0  }
0x8b: {  	s3 =	rddreg [dreg:$0x2];
	[bflag:$0x3] =	sbarrier.arrive $0xFFFF;
	s2 =	simm.s32 @!p0 $0x1C01  }
0x8c: {  	[timem:s3], [sflag:s2] =	dma.local @!p0 [hbm:s0], s1  }
0x8d: {  	s0 =	simm.s32 @!p0 $0x1  }
0x8e: {  	_ =	swait.ge @!p0 [sflag:s0], s1  }
0x8f: {  	s1 =	ssub.s32 @!p0 $0x0, s1;
	[sflag:s0] =	ssyncset.done @!p0 $0x0  }
0x90: {  	[sflag:s0] =	ssyncadd.s32 @!p0 s1  }
0x91: {  	[bflag:$0x3] =	sbarrier.arrive $0xFFFF  }
0x92: {  	_ =	shalt  }

</sc_bundles>
